<compile_context>
chip_gen: v7x
topology: tpu7x:2x2x1
jax: 0.10.2.dev20260603
libtpu: 0.0.44.dev20260713+nightly
codegen_flags: <defaults>
</compile_context>

<pallas_src>
import functools

import jax
import jax.numpy as jnp
from jax import lax
from jax.experimental import pallas as pl
from jax.experimental.pallas import tpu as pltpu
from jax.experimental.pallas import tpu_sc as plsc

HIDDEN = 128
EPS = 1e-12
CHUNK = 128


@functools.partial(jax.jit, static_argnums=(2,))
def _sc_gather(ids2d, word_table, n_rows):
    info = plsc.get_sparse_core_info()
    nc, ns = info.num_cores, info.num_subcores
    nw = nc * ns
    rows_per_w = n_rows // nw
    n_ch = rows_per_w // CHUNK
    mesh = plsc.VectorSubcoreMesh(core_axis_name="c", subcore_axis_name="s")

    @functools.partial(
        pl.kernel,
        mesh=mesh,
        out_type=jax.ShapeDtypeStruct((n_rows, HIDDEN), jnp.float32),
        scratch_types=[
            pltpu.VMEM((n_ch, CHUNK), jnp.int32),
            pltpu.VMEM((CHUNK, HIDDEN), jnp.float32),
            pltpu.VMEM((CHUNK, HIDDEN), jnp.float32),
            pltpu.SemaphoreType.DMA,
            pltpu.SemaphoreType.DMA,
        ],
    )
    def k(ids_hbm, table_hbm, out_hbm, idx_v, buf0, buf1, sem0, sem1):
        wid = lax.axis_index("s") * nc + lax.axis_index("c")
        base = wid * rows_per_w
        pltpu.sync_copy(ids_hbm.at[wid], idx_v)

        pltpu.async_copy(table_hbm.at[idx_v.at[0]], buf0, sem0)
        pltpu.async_copy(table_hbm.at[idx_v.at[1]], buf1, sem1)

        def body(i, _):
            j0 = i * 2
            for b, (buf, sem) in enumerate(((buf0, sem0), (buf1, sem1))):
                j = j0 + b

                @pl.when(j < n_ch)
                def _drain():
                    pltpu.make_async_copy(table_hbm.at[idx_v.at[j]], buf, sem).wait()
                    pltpu.sync_copy(buf, out_hbm.at[pl.ds(base + j * CHUNK, CHUNK)])

                    @pl.when(j + 2 < n_ch)
                    def _prefetch():
                        pltpu.async_copy(table_hbm.at[idx_v.at[j + 2]], buf, sem)

            return 0

        lax.fori_loop(0, (n_ch + 1) // 2, body, 0)

    return k(ids2d, word_table)


def _ln_body(g_ref, tt_ref, base_ref, d_ref, gamma_ref, beta_ref, *rest):
    o_ref = rest[-1]
    x = g_ref[...] + base_ref[...][None, :, :] + tt_ref[...][:, :, None] * d_ref[...][None, None, :]
    mean = jnp.mean(x, axis=-1, keepdims=True)
    xc = x - mean
    var = jnp.mean(xc * xc, axis=-1, keepdims=True)
    inv = lax.rsqrt(var + EPS)
    o_ref[...] = xc * inv * gamma_ref[...][None, None, :] + beta_ref[...][None, None, :]


def _ln_call(gathered_h, ttf_h, base, delta, gamma, beta, bb, full_b, blk_off, prev=None):
    bh, l, h = gathered_h.shape
    in_specs = [
        pl.BlockSpec((bb, l, h), lambda i: (i, 0, 0)),
        pl.BlockSpec((bb, l), lambda i: (i, 0)),
        pl.BlockSpec((l, h), lambda i: (0, 0)),
        pl.BlockSpec((h,), lambda i: (0,)),
        pl.BlockSpec((h,), lambda i: (0,)),
        pl.BlockSpec((h,), lambda i: (0,)),
    ]
    inputs = [gathered_h, ttf_h, base, delta, gamma, beta]
    kwargs = {}
    if prev is not None:
        in_specs.append(pl.BlockSpec(memory_space=pl.ANY))
        inputs.append(prev)
        kwargs["input_output_aliases"] = {6: 0}
    return pl.pallas_call(
        _ln_body,
        grid=(bh // bb,),
        in_specs=in_specs,
        out_specs=pl.BlockSpec((bb, l, h), lambda i: (i + blk_off, 0, 0)),
        out_shape=jax.ShapeDtypeStruct((full_b, l, h), jnp.float32),
        **kwargs,
    )(*inputs)


def kernel(input_ids, token_type_ids, word_table, position_table, type_table, gamma, beta):
    b, l = input_ids.shape
    h = word_table.shape[1]
    info = plsc.get_sparse_core_info()
    nw = info.num_cores * info.num_subcores

    base = position_table[:l] + type_table[0][None, :]
    delta = type_table[1] - type_table[0]
    ttf = token_type_ids.astype(jnp.float32)

    bh = b // 2
    bb = 32
    rows_h = bh * l
    halves = []
    for k in range(2):
        ids3d = (
            input_ids[k * bh:(k + 1) * bh]
            .reshape(nw, rows_h // (nw * CHUNK), CHUNK)
            .astype(jnp.int32)
        )
        halves.append(_sc_gather(ids3d, word_table, rows_h).reshape(bh, l, h))
    out = _ln_call(
        halves[0], ttf[:bh], base, delta, gamma, beta, bb, b, 0
    )
    return _ln_call(
        halves[1], ttf[bh:], base, delta, gamma, beta, bb, b, bh // bb, prev=out
    )

# --- scband reference (transcript-rebuilt; emitter-appended) ---
"""Pipeline reference for scband-lxmert-embeddings-69260642615375 (READ-ONLY COPY).

The authoritative reference and input builder live on the scoring server;
editing this copy changes nothing except your own understanding.
"""

import jax, jax.numpy as jnp
import numpy as np

VOCAB = 1000000
MAX_POS = 512
TYPE_VOCAB = 2
HIDDEN = 128
B, L = 1024, 200
EPS = 1e-12


def setup_inputs(seed: int = 0) -> dict:
    key = jax.random.key(seed)
    k1, k2, k3, k4, k5 = jax.random.split(key, 5)
    input_ids = jax.random.randint(k1, (B, L), 0, VOCAB, dtype=jnp.int64 if jax.config.jax_enable_x64 else jnp.int32)
    token_type_ids = jax.random.randint(k2, (B, L), 0, TYPE_VOCAB, dtype=jnp.int64 if jax.config.jax_enable_x64 else jnp.int32)
    word_table = jax.random.normal(k3, (VOCAB, HIDDEN), dtype=jnp.float32) * 0.02
    word_table = word_table.at[0].set(0.0)  # padding_idx=0
    position_table = jax.random.normal(k4, (MAX_POS, HIDDEN), dtype=jnp.float32) * 0.02
    position_table = position_table.at[0].set(0.0)
    type_table = jax.random.normal(k5, (TYPE_VOCAB, HIDDEN), dtype=jnp.float32) * 0.02
    type_table = type_table.at[0].set(0.0)
    gamma = jnp.ones((HIDDEN,), dtype=jnp.float32)
    beta = jnp.zeros((HIDDEN,), dtype=jnp.float32)
    return {
        "input_ids": input_ids,
        "token_type_ids": token_type_ids,
        "word_table": word_table,
        "position_table": position_table,
        "type_table": type_table,
        "gamma": gamma,
        "beta": beta,
    }


def reference(input_ids, token_type_ids, word_table, position_table, type_table, gamma, beta):
    seq_length = input_ids.shape[1]
    position_ids = jnp.arange(seq_length, dtype=input_ids.dtype)
    position_ids = jnp.broadcast_to(position_ids[None, :], input_ids.shape)
    inputs_embeds = jnp.take(word_table, input_ids, axis=0)
    embeddings = inputs_embeds
    embeddings = embeddings + jnp.take(position_table, position_ids, axis=0)
    embeddings = embeddings + jnp.take(type_table, token_type_ids, axis=0)
    # LayerNorm(eps=1e-12)
    mean = jnp.mean(embeddings, axis=-1, keepdims=True)
    var = jnp.mean(jnp.square(embeddings - mean), axis=-1, keepdims=True)
    normed = (embeddings - mean) / jnp.sqrt(var + EPS)
    out = normed * gamma + beta
    # dropout is identity in eval mode
    return out

if __name__ == "__main__":
    import jax
    _d = setup_inputs()
    print(jax.jit(kernel)(*tuple(_d.values())))

</pallas_src>

<mosaic_0001>
#map = affine_map<(d0, d1) -> (0, 0, 0)>
#map1 = affine_map<(d0, d1) -> (0, 0)>
module attributes {stable_mosaic.version = 14 : i64} {
  func.func @k(%arg0: i32, %arg1: i32, %arg2: memref<32x25x128xi32, #tpu.memory_space<hbm>>, %arg3: memref<1000000x128xf32, #tpu.memory_space<hbm>>, %arg4: memref<102400x128xf32, #tpu.memory_space<hbm>>, %arg5: memref<25x128xi32, #tpu.memory_space<vmem>>, %arg6: memref<128x128xf32, #tpu.memory_space<vmem>>, %arg7: memref<128x128xf32, #tpu.memory_space<vmem>>, %arg8: memref<!tpu.dma_semaphore, #tpu.memory_space<semaphore_mem>>, %arg9: memref<!tpu.dma_semaphore, #tpu.memory_space<semaphore_mem>>) attributes {dimension_semantics = [#tpu.dimension_semantics<core_parallel>, #tpu.dimension_semantics<subcore_parallel>], iteration_bounds = array<i64: 2, 16>, scalar_prefetch = 0 : i64, scratch_operands = 5 : i64, tpu.core_type = #tpu.core_type<sc_vector_subcore>, window_params = [{transform_indices = #map}, {transform_indices = #map1}, {transform_indices = #map1}]} {
    %mul3A = arith.constant 2 : i32
    %mul3A_0 = arith.muli %arg1, %mul3A : i32
    %add3A = arith.addi %mul3A_0, %arg0 : i32
    %mul3A_1 = arith.constant 3200 : i32
    %mul3A_2 = arith.muli %add3A, %mul3A_1 : i32
    "tpu.region"() ({
      %run_scoped3A = tpu.sem_alloc : memref<!tpu.dma_semaphore, #tpu.memory_space<semaphore_mem>>
      %dma_start3A_22 = arith.constant 0 : i32
      %dma_start3A_23 = arith.constant 0 : i32
      %dma_start3A_24 = tpu.memref_slice %arg2[%add3A, %dma_start3A_22, %dma_start3A_23] : memref<32x25x128xi32, #tpu.memory_space<hbm>> -> memref<1x25x128xi32, #tpu.memory_space<hbm>>
      %dma_start3A_25 = tpu.memref_squeeze %dma_start3A_24 : memref<1x25x128xi32, #tpu.memory_space<hbm>> -> memref<25x128xi32, #tpu.memory_space<hbm>>
      %dma_start3A_26 = arith.constant 0 : i32
      %dma_start3A_27 = arith.constant 0 : i32
      %dma_start3A_28 = tpu.memref_slice %arg2[%add3A, %dma_start3A_26, %dma_start3A_27] : memref<32x25x128xi32, #tpu.memory_space<hbm>> -> memref<1x25x128xi32, #tpu.memory_space<hbm>>
      %dma_start3A_29 = tpu.memref_squeeze %dma_start3A_28 : memref<1x25x128xi32, #tpu.memory_space<hbm>> -> memref<25x128xi32, #tpu.memory_space<hbm>>
      tpu.enqueue_dma source(%dma_start3A_29 : memref<25x128xi32, #tpu.memory_space<hbm>>) target(%arg5 : memref<25x128xi32, #tpu.memory_space<vmem>>) target_semaphore(%run_scoped3A : memref<!tpu.dma_semaphore, #tpu.memory_space<semaphore_mem>>)
      %dma_wait3A = arith.constant 0 : i32
      %dma_wait3A_30 = arith.constant 0 : i32
      %dma_wait3A_31 = tpu.memref_slice %arg2[%add3A, %dma_wait3A, %dma_wait3A_30] : memref<32x25x128xi32, #tpu.memory_space<hbm>> -> memref<1x25x128xi32, #tpu.memory_space<hbm>>
      %dma_wait3A_32 = tpu.memref_squeeze %dma_wait3A_31 : memref<1x25x128xi32, #tpu.memory_space<hbm>> -> memref<25x128xi32, #tpu.memory_space<hbm>>
      %dma_wait3A_33 = arith.constant 0 : i32
      %dma_wait3A_34 = arith.constant 0 : i32
      %dma_wait3A_35 = tpu.memref_slice %arg2[%add3A, %dma_wait3A_33, %dma_wait3A_34] : memref<32x25x128xi32, #tpu.memory_space<hbm>> -> memref<1x25x128xi32, #tpu.memory_space<hbm>>
      %dma_wait3A_36 = tpu.memref_squeeze %dma_wait3A_35 : memref<1x25x128xi32, #tpu.memory_space<hbm>> -> memref<25x128xi32, #tpu.memory_space<hbm>>
      tpu.wait_dma2 semaphore(%run_scoped3A : memref<!tpu.dma_semaphore, #tpu.memory_space<semaphore_mem>>) src(%dma_wait3A_36 : memref<25x128xi32, #tpu.memory_space<hbm>>) dst(%arg5 : memref<25x128xi32, #tpu.memory_space<vmem>>)
      tpu.yield
    }) : () -> ()
    %dma_start3A = arith.constant 0 : i32
    %dma_start3A_3 = arith.constant 0 : i32
    %dma_start3A_4 = tpu.memref_slice %arg5[%dma_start3A, %dma_start3A_3] : memref<25x128xi32, #tpu.memory_space<vmem>> -> memref<1x128xi32, #tpu.memory_space<vmem>>
    %dma_start3A_5 = tpu.memref_squeeze %dma_start3A_4 : memref<1x128xi32, #tpu.memory_space<vmem>> -> memref<128xi32, #tpu.memory_space<vmem>>
    %dma_start3A_6 = arith.constant 0 : i32
    %dma_start3A_7 = arith.constant 0 : i32
    %dma_start3A_8 = tpu.memref_slice %arg3[%dma_start3A_6, %dma_start3A_7] : memref<1000000x128xf32, #tpu.memory_space<hbm>> -> memref<1000000x128xf32, #tpu.memory_space<hbm>>
    tpu.enqueue_indirect_dma source(%dma_start3A_8 : memref<1000000x128xf32, #tpu.memory_space<hbm>>) target(%arg6 : memref<128x128xf32, #tpu.memory_space<vmem>>) offsets(%dma_start3A_5 : memref<128xi32, #tpu.memory_space<vmem>>) semaphore(%arg8 : memref<!tpu.dma_semaphore, #tpu.memory_space<semaphore_mem>>)
    %dma_start3A_9 = arith.constant 1 : i32
    %dma_start3A_10 = arith.constant 0 : i32
    %dma_start3A_11 = tpu.memref_slice %arg5[%dma_start3A_9, %dma_start3A_10] : memref<25x128xi32, #tpu.memory_space<vmem>> -> memref<1x128xi32, #tpu.memory_space<vmem>>
    %dma_start3A_12 = tpu.memref_squeeze %dma_start3A_11 : memref<1x128xi32, #tpu.memory_space<vmem>> -> memref<128xi32, #tpu.memory_space<vmem>>
    %dma_start3A_13 = arith.constant 0 : i32
    %dma_start3A_14 = arith.constant 0 : i32
    %dma_start3A_15 = tpu.memref_slice %arg3[%dma_start3A_13, %dma_start3A_14] : memref<1000000x128xf32, #tpu.memory_space<hbm>> -> memref<1000000x128xf32, #tpu.memory_space<hbm>>
    tpu.enqueue_indirect_dma source(%dma_start3A_15 : memref<1000000x128xf32, #tpu.memory_space<hbm>>) target(%arg7 : memref<128x128xf32, #tpu.memory_space<vmem>>) offsets(%dma_start3A_12 : memref<128xi32, #tpu.memory_space<vmem>>) semaphore(%arg9 : memref<!tpu.dma_semaphore, #tpu.memory_space<semaphore_mem>>)
    %scan3A = arith.constant 0 : i32
    %scan3A_16 = arith.constant 0 : i32
    %scan3A_17 = arith.constant 13 : i32
    %scan3A_18 = arith.addi %scan3A_16, %scan3A_17 : i32
    %scan3A_19 = arith.constant 1 : i32
    %scan3A_20 = scf.for %scan3A_22 = %scan3A_16 to %scan3A_18 step %scan3A_19 iter_args(%scan3A_23 = %scan3A) -> (i32)  : i32 {
      %mul3A_24 = arith.constant 2 : i32
      %mul3A_25 = arith.muli %scan3A_22, %mul3A_24 : i32
      %add3A_26 = arith.constant 0 : i32
      %add3A_27 = arith.addi %mul3A_25, %add3A_26 : i32
      %lt3A = arith.constant 25 : i32
      %lt3A_28 = arith.cmpi slt, %add3A_27, %lt3A : i32
      %convert_element_type3A = arith.extui %lt3A_28 : i1 to i32
      %cond3A = arith.constant 0 : i32
      %cond3A_29 = arith.cmpi ne, %convert_element_type3A, %cond3A : i32
      scf.if %cond3A_29 {
        %dma_wait3A = arith.constant 0 : i32
        %dma_wait3A_38 = tpu.memref_slice %arg5[%add3A_27, %dma_wait3A] : memref<25x128xi32, #tpu.memory_space<vmem>> -> memref<1x128xi32, #tpu.memory_space<vmem>>
        %dma_wait3A_39 = tpu.memref_squeeze %dma_wait3A_38 : memref<1x128xi32, #tpu.memory_space<vmem>> -> memref<128xi32, #tpu.memory_space<vmem>>
        %dma_wait3A_40 = arith.constant 0 : i32
        %dma_wait3A_41 = arith.constant 0 : i32
        %dma_wait3A_42 = tpu.memref_slice %arg3[%dma_wait3A_40, %dma_wait3A_41] : memref<1000000x128xf32, #tpu.memory_space<hbm>> -> memref<1000000x128xf32, #tpu.memory_space<hbm>>
        tpu.wait_indirect_dma semaphore(%arg8 : memref<!tpu.dma_semaphore, #tpu.memory_space<semaphore_mem>>) src(%dma_wait3A_42 : memref<1000000x128xf32, #tpu.memory_space<hbm>>) dst(%arg6 : memref<128x128xf32, #tpu.memory_space<vmem>>)
        %mul3A_43 = arith.constant 128 : i32
        %mul3A_44 = arith.muli %add3A_27, %mul3A_43 : i32
        %add3A_45 = arith.addi %mul3A_2, %mul3A_44 : i32
        "tpu.region"() ({
          %run_scoped3A = tpu.sem_alloc : memref<!tpu.dma_semaphore, #tpu.memory_space<semaphore_mem>>
          %dma_start3A_53 = arith.constant 0 : i32
          %dma_start3A_54 = tpu.memref_slice %arg4[%add3A_45, %dma_start3A_53] : memref<102400x128xf32, #tpu.memory_space<hbm>> -> memref<128x128xf32, #tpu.memory_space<hbm>>
          %dma_start3A_55 = arith.constant 0 : i32
          %dma_start3A_56 = tpu.memref_slice %arg4[%add3A_45, %dma_start3A_55] : memref<102400x128xf32, #tpu.memory_space<hbm>> -> memref<128x128xf32, #tpu.memory_space<hbm>>
          tpu.enqueue_dma source(%arg6 : memref<128x128xf32, #tpu.memory_space<vmem>>) target(%dma_start3A_56 : memref<128x128xf32, #tpu.memory_space<hbm>>) target_semaphore(%run_scoped3A : memref<!tpu.dma_semaphore, #tpu.memory_space<semaphore_mem>>)
          %dma_wait3A_57 = arith.constant 0 : i32
          %dma_wait3A_58 = tpu.memref_slice %arg4[%add3A_45, %dma_wait3A_57] : memref<102400x128xf32, #tpu.memory_space<hbm>> -> memref<128x128xf32, #tpu.memory_space<hbm>>
          %dma_wait3A_59 = arith.constant 0 : i32
          %dma_wait3A_60 = tpu.memref_slice %arg4[%add3A_45, %dma_wait3A_59] : memref<102400x128xf32, #tpu.memory_space<hbm>> -> memref<128x128xf32, #tpu.memory_space<hbm>>
          tpu.wait_dma2 semaphore(%run_scoped3A : memref<!tpu.dma_semaphore, #tpu.memory_space<semaphore_mem>>) src(%arg6 : memref<128x128xf32, #tpu.memory_space<vmem>>) dst(%dma_wait3A_60 : memref<128x128xf32, #tpu.memory_space<hbm>>)
          tpu.yield
        }) : () -> ()
        %add3A_46 = arith.constant 2 : i32
        %add3A_47 = arith.addi %add3A_27, %add3A_46 : i32
        %lt3A_48 = arith.constant 25 : i32
        %lt3A_49 = arith.cmpi slt, %add3A_47, %lt3A_48 : i32
        %convert_element_type3A_50 = arith.extui %lt3A_49 : i1 to i32
        %cond3A_51 = arith.constant 0 : i32
        %cond3A_52 = arith.cmpi ne, %convert_element_type3A_50, %cond3A_51 : i32
        scf.if %cond3A_52 {
          %add3A_53 = arith.constant 2 : i32
          %add3A_54 = arith.addi %add3A_27, %add3A_53 : i32
          %dma_start3A_55 = arith.constant 0 : i32
          %dma_start3A_56 = tpu.memref_slice %arg5[%add3A_54, %dma_start3A_55] : memref<25x128xi32, #tpu.memory_space<vmem>> -> memref<1x128xi32, #tpu.memory_space<vmem>>
          %dma_start3A_57 = tpu.memref_squeeze %dma_start3A_56 : memref<1x128xi32, #tpu.memory_space<vmem>> -> memref<128xi32, #tpu.memory_space<vmem>>
          %dma_start3A_58 = arith.constant 0 : i32
          %dma_start3A_59 = arith.constant 0 : i32
          %dma_start3A_60 = tpu.memref_slice %arg3[%dma_start3A_58, %dma_start3A_59] : memref<1000000x128xf32, #tpu.memory_space<hbm>> -> memref<1000000x128xf32, #tpu.memory_space<hbm>>
          tpu.enqueue_indirect_dma source(%dma_start3A_60 : memref<1000000x128xf32, #tpu.memory_space<hbm>>) target(%arg6 : memref<128x128xf32, #tpu.memory_space<vmem>>) offsets(%dma_start3A_57 : memref<128xi32, #tpu.memory_space<vmem>>) semaphore(%arg8 : memref<!tpu.dma_semaphore, #tpu.memory_space<semaphore_mem>>)
        } else {
        }
      } else {
      }
      %add3A_30 = arith.constant 1 : i32
      %add3A_31 = arith.addi %mul3A_25, %add3A_30 : i32
      %lt3A_32 = arith.constant 25 : i32
      %lt3A_33 = arith.cmpi slt, %add3A_31, %lt3A_32 : i32
      %convert_element_type3A_34 = arith.extui %lt3A_33 : i1 to i32
      %cond3A_35 = arith.constant 0 : i32
      %cond3A_36 = arith.cmpi ne, %convert_element_type3A_34, %cond3A_35 : i32
      scf.if %cond3A_36 {
        %dma_wait3A = arith.constant 0 : i32
        %dma_wait3A_38 = tpu.memref_slice %arg5[%add3A_31, %dma_wait3A] : memref<25x128xi32, #tpu.memory_space<vmem>> -> memref<1x128xi32, #tpu.memory_space<vmem>>
        %dma_wait3A_39 = tpu.memref_squeeze %dma_wait3A_38 : memref<1x128xi32, #tpu.memory_space<vmem>> -> memref<128xi32, #tpu.memory_space<vmem>>
        %dma_wait3A_40 = arith.constant 0 : i32
        %dma_wait3A_41 = arith.constant 0 : i32
        %dma_wait3A_42 = tpu.memref_slice %arg3[%dma_wait3A_40, %dma_wait3A_41] : memref<1000000x128xf32, #tpu.memory_space<hbm>> -> memref<1000000x128xf32, #tpu.memory_space<hbm>>
        tpu.wait_indirect_dma semaphore(%arg9 : memref<!tpu.dma_semaphore, #tpu.memory_space<semaphore_mem>>) src(%dma_wait3A_42 : memref<1000000x128xf32, #tpu.memory_space<hbm>>) dst(%arg7 : memref<128x128xf32, #tpu.memory_space<vmem>>)
        %mul3A_43 = arith.constant 128 : i32
        %mul3A_44 = arith.muli %add3A_31, %mul3A_43 : i32
        %add3A_45 = arith.addi %mul3A_2, %mul3A_44 : i32
        "tpu.region"() ({
          %run_scoped3A = tpu.sem_alloc : memref<!tpu.dma_semaphore, #tpu.memory_space<semaphore_mem>>
          %dma_start3A_53 = arith.constant 0 : i32
          %dma_start3A_54 = tpu.memref_slice %arg4[%add3A_45, %dma_start3A_53] : memref<102400x128xf32, #tpu.memory_space<hbm>> -> memref<128x128xf32, #tpu.memory_space<hbm>>
          %dma_start3A_55 = arith.constant 0 : i32
          %dma_start3A_56 = tpu.memref_slice %arg4[%add3A_45, %dma_start3A_55] : memref<102400x128xf32, #tpu.memory_space<hbm>> -> memref<128x128xf32, #tpu.memory_space<hbm>>
          tpu.enqueue_dma source(%arg7 : memref<128x128xf32, #tpu.memory_space<vmem>>) target(%dma_start3A_56 : memref<128x128xf32, #tpu.memory_space<hbm>>) target_semaphore(%run_scoped3A : memref<!tpu.dma_semaphore, #tpu.memory_space<semaphore_mem>>)
          %dma_wait3A_57 = arith.constant 0 : i32
          %dma_wait3A_58 = tpu.memref_slice %arg4[%add3A_45, %dma_wait3A_57] : memref<102400x128xf32, #tpu.memory_space<hbm>> -> memref<128x128xf32, #tpu.memory_space<hbm>>
          %dma_wait3A_59 = arith.constant 0 : i32
          %dma_wait3A_60 = tpu.memref_slice %arg4[%add3A_45, %dma_wait3A_59] : memref<102400x128xf32, #tpu.memory_space<hbm>> -> memref<128x128xf32, #tpu.memory_space<hbm>>
          tpu.wait_dma2 semaphore(%run_scoped3A : memref<!tpu.dma_semaphore, #tpu.memory_space<semaphore_mem>>) src(%arg7 : memref<128x128xf32, #tpu.memory_space<vmem>>) dst(%dma_wait3A_60 : memref<128x128xf32, #tpu.memory_space<hbm>>)
          tpu.yield
        }) : () -> ()
        %add3A_46 = arith.constant 2 : i32
        %add3A_47 = arith.addi %add3A_31, %add3A_46 : i32
        %lt3A_48 = arith.constant 25 : i32
        %lt3A_49 = arith.cmpi slt, %add3A_47, %lt3A_48 : i32
        %convert_element_type3A_50 = arith.extui %lt3A_49 : i1 to i32
        %cond3A_51 = arith.constant 0 : i32
        %cond3A_52 = arith.cmpi ne, %convert_element_type3A_50, %cond3A_51 : i32
        scf.if %cond3A_52 {
          %add3A_53 = arith.constant 2 : i32
          %add3A_54 = arith.addi %add3A_31, %add3A_53 : i32
          %dma_start3A_55 = arith.constant 0 : i32
          %dma_start3A_56 = tpu.memref_slice %arg5[%add3A_54, %dma_start3A_55] : memref<25x128xi32, #tpu.memory_space<vmem>> -> memref<1x128xi32, #tpu.memory_space<vmem>>
          %dma_start3A_57 = tpu.memref_squeeze %dma_start3A_56 : memref<1x128xi32, #tpu.memory_space<vmem>> -> memref<128xi32, #tpu.memory_space<vmem>>
          %dma_start3A_58 = arith.constant 0 : i32
          %dma_start3A_59 = arith.constant 0 : i32
          %dma_start3A_60 = tpu.memref_slice %arg3[%dma_start3A_58, %dma_start3A_59] : memref<1000000x128xf32, #tpu.memory_space<hbm>> -> memref<1000000x128xf32, #tpu.memory_space<hbm>>
          tpu.enqueue_indirect_dma source(%dma_start3A_60 : memref<1000000x128xf32, #tpu.memory_space<hbm>>) target(%arg7 : memref<128x128xf32, #tpu.memory_space<vmem>>) offsets(%dma_start3A_57 : memref<128xi32, #tpu.memory_space<vmem>>) semaphore(%arg9 : memref<!tpu.dma_semaphore, #tpu.memory_space<semaphore_mem>>)
        } else {
        }
      } else {
      }
      %scan3A_37 = arith.constant 0 : i32
      scf.yield %scan3A_37 : i32
    }
    %scan3A_21 = arith.constant 13 : i32
    return
  }
}

</mosaic_0001>

<sc_bundles>
// kernel: _sc_gather.3.cloned.1.call-start
scs
__scs_entry_jumppad:
0x0: {  	(pc) =	sbr.rel $0x88, $3  }
0x1: {  	(tag) =	ssettag $0x0;
	lr =	simm.s32 $0x1  }
0x2: {  	[smem:$0x3F9F] =	sst lr;
	_ =	strace $0xD0000000  }
0x3: {  	_ = 	snop  }
0x4: {  	_ = 	snop  }
0x5: {  	_ = 	snop  }
0x6: {  	_ = 	snop  }
0x7: {  	_ = 	snop  }
__scs_overlays_trampoline_lowered:
0x8: {  	[smem:$0x3FAE] =	sst s0  }
0x9: {  	[smem:$0x3FAF] =	sst s1  }
0xa: {  	[smem:$0x3FB0] =	sst s2  }
0xb: {  	[smem:$0x3FB1] =	sst s3  }
0xc: {  	[smem:$0x3FB2] =	sst s4  }
0xd: {  	[smem:$0x3FB3] =	sst s5  }
0xe: {  	[smem:$0x3FB4] =	sst s6  }
0xf: {  	[smem:$0x3FB5] =	sst s7  }
0x10: {  	[smem:$0x3FB6] =	sst s8  }
0x11: {  	[smem:$0x3FB7] =	sst s9;
	s0 =	simm.s32 @!p0 $0x0  }
0x12: {  	s1 =	sld [smem:$0x3F9D];
	s0 =	simm.s32 @p0 $0x1  }
0x13: {  	[smem:$0x3FB8] =	sst s0;
	s0 =	simm.s32 @!p1 $0x0  }
0x14: {  	s2 =	sld [smem:$0x3F9C];
	s0 =	simm.s32 @p1 $0x1  }
0x15: {  	[smem:$0x3FB9] =	sst s0;
	s0 =	simm.s32 @!p2 $0x0  }
0x16: {  	s3 =	sld [smem:$0x3FDB];
	s0 =	simm.s32 @p2 $0x1  }
0x17: {  	s4 =	simm.s32 $0x1BF5;
	[smem:$0x3FBB] =	sst s0  }
0x18: {  	s0 =	sld [smem:$0x3F9E];
	_ =	swait.ge [sflag:s4], $0x0  }
0x19: {  	s7 =	sld [smem:$0x3F9F]  }
0x1a: {  	s8 =	sadd.s32 $0xFFFFE003, lr  }
0x1b: {  	s9 =	sadd.s32 $0xFFFFFEF7, lr;
	s5 =	simm.s32 $0xFFFFFFFF;
	p2 =	slt.u32 s8, $0xFFFFF086  }
0x1c: {  	p1 =	slt.u32 s9, $0xF7A;
	s5 =	simm.s32 @!p2 $0x0  }
0x1d: {  	s5 =	simm.s32 @p1 $0x1;
	p0 =	seq.s32 s7, s2  }
0x1e: {  	s7 =	smul.u32 @!p0 $0xF7A, s2;
	p2 =	seq.s32 @!p0 s5, $0x0  }
0x1f: {  	s9 =	smul.u32 $0xF7A, s1;
	s8 =	simm.s32 @!p0 $0x1BF5;
	p2 =	por !p2, p0  }
0x20: {  	[sflag:s8] =	ssyncset.s32 @!p0 $0xFFFFF086;
	s6 =	sadd.s32 @!p0 s3, s7;
	s7 =	simm.s32 @!p0 $0x108  }
0x21: {  	s3 =	sadd.s32 s3, s9;
	s6 =	sadd.s32 @!p0 $0x88, s6;
	s7 =	simm.s32 @p2 $0x1082  }
0x22: {  	[simem:s7], [sflag:s8] =	dma.local @!p0 [hbm:s6], $0xF7A  }
0x23: {  	s9 =	sor.u32 $0xD0000000, s2;
	s6 =	simm.s32 $0x108;
	_ =	swait.ge @!p0 [sflag:s8], $0x0  }
0x24: {  	s3 =	sadd.s32 $0x88, s3;
	s6 =	simm.s32 @!p1 $0x1082;
	[sflag:s4] =	ssyncset.s32 $0xFFFFF086  }
0x25: {  	[simem:s6], [sflag:s4] =	dma.local [hbm:s3], $0xF7A  }
0x26: {  	[smem:$0x3F9F] =	sst s1;
	(tag) =	ssettag s2;
	_ =	strace s9  }
0x27: {  	s1 =	sld [smem:$0x3FAF]  }
0x28: {  	s2 =	sld [smem:$0x3FB0]  }
0x29: {  	s4 =	sld [smem:$0x3FB2]  }
0x2a: {  	p0 =	seq.s32 s5, $0x0;
	s5 =	sld [smem:$0x3FB3]  }
0x2b: {  	s6 =	sld [smem:$0x3FB4]  }
0x2c: {  	s7 =	sld [smem:$0x3FB5]  }
0x2d: {  	s3 =	simm.s32 $0x108;
	s8 =	sld [smem:$0x3FB6]  }
0x2e: {  	s3 =	simm.s32 @!p0 $0x1082;
	s9 =	sld [smem:$0x3FB7]  }
0x2f: {  	lr =	sadd.s32 s0, s3;
	s0 =	sld [smem:$0x3FAE]  }
0x30: {  	s3 =	sld [smem:$0x3FB1]  }
0x31: {  	[smem:$0x3FBA] =	sst s10  }
0x32: {  	s10 =	sld [smem:$0x3FB8];
	_ =	sdelay $0x3  }
0x33: {  	p0 =	seq.s32 s10, $0x1;
	s10 =	sld [smem:$0x3FBA];
	_ =	sdelay $0x3  }
0x34: {  	[smem:$0x3FBA] =	sst s10  }
0x35: {  	s10 =	sld [smem:$0x3FB9];
	_ =	sdelay $0x3  }
0x36: {  	p1 =	seq.s32 s10, $0x1;
	s10 =	sld [smem:$0x3FBA];
	_ =	sdelay $0x3  }
0x37: {  	[smem:$0x3FBA] =	sst s10  }
0x38: {  	s10 =	sld [smem:$0x3FBB]  }
0x39: {  	_ = 	snop;
	(pc) =	sbr.ind lr, $3  }
0x3a: {  	_ = 	snop  }
0x3b: {  	_ = 	snop  }
0x3c: {  	p2 =	seq.s32 s10, $0x1;
	s10 =	sld [smem:$0x3FBA]  }
0x3d: {  	_ =	shalt  }
0x3e: {  	_ =	shalt  }
0x3f: {  	_ =	shalt  }
0x40: {  	_ =	shalt  }
0x41: {  	_ =	shalt  }
0x42: {  	_ =	shalt  }
0x43: {  	_ =	shalt  }
0x44: {  	_ =	shalt  }
0x45: {  	_ =	shalt  }
0x46: {  	_ =	shalt  }
0x47: {  	_ =	shalt  }
0x48: {  	_ =	shalt  }
0x49: {  	_ =	shalt  }
0x4a: {  	_ =	shalt  }
0x4b: {  	_ =	shalt  }
0x4c: {  	_ =	shalt  }
0x4d: {  	_ =	shalt  }
0x4e: {  	_ =	shalt  }
0x4f: {  	_ =	shalt  }
0x50: {  	_ =	shalt  }
0x51: {  	_ =	shalt  }
0x52: {  	_ =	shalt  }
0x53: {  	_ =	shalt  }
0x54: {  	_ =	shalt  }
0x55: {  	_ =	shalt  }
0x56: {  	_ =	shalt  }
0x57: {  	_ =	shalt  }
0x58: {  	_ =	shalt  }
0x59: {  	_ =	shalt  }
0x5a: {  	_ =	shalt  }
0x5b: {  	_ =	shalt  }
0x5c: {  	_ =	shalt  }
0x5d: {  	_ =	shalt  }
0x5e: {  	_ =	shalt  }
0x5f: {  	_ =	shalt  }
0x60: {  	_ =	shalt  }
0x61: {  	_ =	shalt  }
0x62: {  	_ =	shalt  }
0x63: {  	_ =	shalt  }
0x64: {  	_ =	shalt  }
0x65: {  	_ =	shalt  }
0x66: {  	_ =	shalt  }
0x67: {  	_ =	shalt  }
0x68: {  	_ =	shalt  }
0x69: {  	_ =	shalt  }
0x6a: {  	_ =	shalt  }
0x6b: {  	_ =	shalt  }
0x6c: {  	_ =	shalt  }
0x6d: {  	_ =	shalt  }
0x6e: {  	_ =	shalt  }
0x6f: {  	_ =	shalt  }
0x70: {  	_ =	shalt  }
0x71: {  	_ =	shalt  }
0x72: {  	_ =	shalt  }
0x73: {  	_ =	shalt  }
0x74: {  	_ =	shalt  }
0x75: {  	_ =	shalt  }
0x76: {  	_ =	shalt  }
0x77: {  	_ =	shalt  }
0x78: {  	_ =	shalt  }
0x79: {  	_ =	shalt  }
0x7a: {  	_ =	shalt  }
0x7b: {  	_ =	shalt  }
0x7c: {  	_ =	shalt  }
0x7d: {  	_ =	shalt  }
0x7e: {  	_ =	shalt  }
0x7f: {  	_ =	shalt  }
0x80: {  	_ =	shalt  }
0x81: {  	_ =	shalt  }
0x82: {  	_ =	shalt  }
0x83: {  	_ =	shalt  }
0x84: {  	_ =	shalt  }
0x85: {  	_ =	shalt  }
0x86: {  	_ =	shalt  }
0x87: {  	_ =	shalt  }
.Lfunc_end0:
.L_simem_size_0:
called_computation_lowered:
.L_overlay_start_0:
0x88: {  	s2 =	sld [smem:$0x3FD9]  }
0x89: {  	s3 =	sld [smem:$0x3FFE];
	_ =	sdelay $0x1  }
0x8a: {  	s1 =	srdreg.scid  }
0x8b: {  	s0 =	sand.u32 $0x1, s1  }
0x8c: {  	s17 =	sshll.u32 s0, $0xA;
	s2 =	sadd.s32 s3, s2  }
0x8d: {  	s2 =	sadd.s32 s2, s17  }
0x8e: {  	[smem:$0x3FC6] =	sst s2  }
0x8f: {  	_ = 	snop  }
0x90: {  	s2 =	sld [smem:$0x3FC8]  }
0x91: {  	s18 =	sld [smem:$0x3FD0];
	(tm) =	ssettm $0x1  }
0x92: {  	s4 =	sld [smem:$0x3FFB];
	_ =	sdelay $0x3  }
0x93: {  	_ =	strace s4  }
0x94: {  	s4 =	sld [smem:$0x3FFC];
	_ =	sdelay $0x3  }
0x95: {  	_ =	strace s4  }
0x96: {  	s4 =	sld [smem:$0x3FFD];
	_ =	sdelay $0x3  }
0x97: {  	_ =	strace s4  }
0x98: {  	_ =	strace $0x8FFFFFFF  }
0x99: {  	s19 =	sld [smem:$0x3FDB];
	_ =	sdelay $0x1  }
0x9a: {  	s5 =	simm.s32 $_scs_section_size  }
0x9b: {  	s6 =	simm.s32 $_size__tile_overlayer_lowered;
	s7 =	simm.s32 $_tile_overlayer_lowered  }
0x9c: {  	s22 =	simm.s32 $0x1BFF;
	s21 =	sshll.u32 s7, $0x1;
	s4 =	sadd.s32 s5, s19  }
0x9d: {  	s8 =	simm.s32 $0x0;
	s20 =	sshll.u32 s6, $0x1;
	s6 =	sadd.s32 s21, s4  }
0x9e: {  	[timem:s8], [sflag:s22] =	dma.local [hbm:s6], s20  }
0x9f: {  	_ =	swait.ge [sflag:s22], s20  }
0xa0: {  	s5 =	ssub.s32 $0x0, s20;
	[sflag:s22] =	ssyncset.done $0x0  }
0xa1: {  	[sflag:s22] =	ssyncadd.s32 s5;
	_ =	sdelay $0x1  }
0xa2: {  	s23 =	simm.s32 $0x1B8B  }
0xa3: {  	_ =	swait.ge [sflag:s23], $0x1  }
0xa4: {  	[sflag:s23] =	ssyncset.done $0x0  }
0xa5: {  	s25 =	simm.s32 $0x1B8E;
	s24 =	sld [smem:$0x3FFE];
	[sflag:s23] =	ssyncadd.s32 $0xFFFFFFFF  }
0xa6: {  	s26 =	simm.s32 $execute0_lowered;
	[smem:$0x3FD2] =	sst s25  }
0xa7: {  	s6 =	sshll.u32 s26, $0x1;
	_ =	strace $0x80000046;
	[dreg:$0x1] =	wrdreg $0xFFFFFFFF  }
0xa8: {  	s28 =	simm.s32 $_size_execute0_lowered;
	s4 =	sadd.s32 s4, s6;
	[dreg:$0x0] =	wrdreg $0x0  }
0xa9: {  	s6 =	sshll.u32 s28, $0x1;
	[dreg:$0x2] =	wrdreg s4  }
0xaa: {  	[dreg:$0x3] =	wrdreg s6  }
0xab: {  	[dreg:$0x4] =	wrdreg $0xC0  }
0xac: {  	_ =	task [dreg:s8], $0x5FFFF  }
0xad: {  	[dreg:$0x1] =	wrdreg $0xFFFFFFFF  }
0xae: {  	[dreg:$0x0] =	wrdreg $0x60  }
0xaf: {  	[dreg:$0x2] =	wrdreg s24  }
0xb0: {  	[dreg:$0x3] =	wrdreg s2  }
0xb1: {  	[dreg:$0x4] =	wrdreg s18  }
0xb2: {  	[dreg:$0x5] =	wrdreg $0x9  }
0xb3: {  	_ =	task.clear_ibuf [dreg:s8], $0x6FFFF;
	_ =	strace $0x90000046  }
0xb4: {  	s29 =	simm.s32 $0x9;
	_ =	strace $0x80000048  }
0xb5: {  	_ =	swait.ge [sflag:s29], $0x1  }
0xb6: {  	[sflag:s29] =	ssyncadd.s32 $0xFFFFFFFF  }
0xb7: {  	_ =	strace $0x90000048  }
0xb8: {  	_ =	sfence  }
0xb9: {  	s30 =	sld [smem:$0x0];
	_ =	sdelay $0x2  }
0xba: {  	s31 =	sshll.u32 s1, $0xD;
	s1 =	sshrl.u32 s1, $0x2  }
0xbb: {  	s3 =	sand.u32 $0x4000, s31;
	s1 =	sadd.s32 s1, s30  }
0xbc: {  	s0 =	sor.u32 s3, s0;
	s1 =	sshll.u32 s1, $0x11  }
0xbd: {  	s0 =	sor.u32 s1, s0  }
0xbe: {  	s0 =	sadd.s32 $0x8F2B, s0  }
0xbf: {  	[sflag:s0] =	ssyncadd.remote.s32 $0x1  }
0xc0: {  	_ =	sfence.sel $0xFFFF  }
0xc1: {  	[dreg:$0x0] =	wrdreg $0xFFFFFFFF;
	(pc) =	sbr.abs _section_cstart, $3  }
0xc2: {  	[dreg:$0x1] =	wrdreg $0xFFFFFFFF  }
0xc3: {  	_ =	task.clear_ibuf [dreg:s8], $0x2FFFF;
	_ =	strace $0x9FFFFFFF  }
0xc4: {  	(tm) =	ssettm $0x7FFFFFFF  }
0xc5: {  	_ =	shalt  }
tec
execute0_lowered:
.L_overlay_start_1:
0x0: {  	(tag) =	ssettag $0x1  }
0x1: {  	s4 =	rddreg [dreg:$0x0]  }
0x2: {  	s1 =	srdreg.scid;
	s2 =	rddreg [dreg:$0x1]  }
0x3: {  	s0 =	stileid.u32;
	s10 =	rddreg [dreg:$0x2]  }
0x4: {  	s3 =	simm.s32 $0x0;
	s12 =	simm.s32 $0x80;
	s13 =	simm.s32 $0x1000  }
0x5: {  	s14 =	simm.s32 $0x5000;
	s15 =	simm.s32 $0x1;
	s16 =	simm.s32 $0x2  }
0x6: {  	s17 =	simm.s32 $0xC00;
	s18 =	simm.s32 $0x0;
	s5 =	sand.u32 $0x1, s1  }
0x7: {  	s28 =	sshll.u32 s0, $0x1;
	s1 =	rddreg [dreg:$0x3];
	s9 =	smul.u32 $0xC8000, s0  }
0x8: {  	s6 =	sor.u32 s5, s28;
	s8 =	ssub.s32 $0x2, s5;
	s5 =	smul.u32 $0x64000, s5  }
0x9: {  	[smem:$0x7FF] =	sst s3;
	s7 =	smul.u32 $0x64000, s6;
	s6 =	sshll.u32 s6, $0x9  }
0xa: {  	_ =	strace $0x80000047;
	s11 =	sshrl.u32 s8, $0x1;
	s4 =	sadd.s32 s6, s4  }
0xb: {  	s29 =	ssub.s32 s8, s11;
	s30 =	sadd.s32 s5, s9;
	s4 =	sadd.s32 $0x400, s4  }
0xc: {  	s7 =	sshrl.u32 s7, $0x3;
	s5 =	smax.u32 s29, $0x1;
	s9 =	sadd.s32 $0x4000, s30  }
0xd: {  	s11 =	sshrl.u32 s30, $0x3;
	s31 =	sadd.s32 s10, s7;
	s9 =	sshrl.u32 s9, $0x3  }
0xe: {  	s6 =	sadd.s32 $0xC000, s31;
	s7 =	sadd.s32 $0xB000, s31;
	s8 =	sadd.s32 $0xB800, s31  }
0xf: {  	s9 =	sadd.s32 s9, s10;
	s10 =	sadd.s32 s11, s10;
	s11 =	simm.s32 $0x3  }
.LBB2_1:
0x10: {  	[tilespmem:s3], [sflag:$0x3] =	stream.linear.gather [hbm4b:s4+s3], $0xC80, $0x38;
	[tilespmem:$0x9000] =	vst v63  }
0x11: {  	_ =	swait.ge [sflag:s11], $0xC80  }
0x12: {  	[sflag:s11] =	ssyncset.done $0x0  }
0x13: {  	[sflag:s11] =	ssyncadd.s32 $0xFFFFF380  }
0x14: {  	[tilespmem:s13], [sflag:$0x1] =	stream.indirect.gather [hbm4b:s2+s12], $0x80, s3, s12, $0xb8;
	[tilespmem:$0x9000] =	vst v63  }
0x15: {  	_ = 	snop  }
0x16: {  	[tilespmem:s14], [sflag:$0x2] =	stream.indirect.gather [hbm4b:s2+s12], $0x80, s12, s12, $0xb8;
	[tilespmem:$0x9000] =	vst v63  }
0x17: {  	_ =	swait.ge [sflag:s15], $0x4000  }
0x18: {  	[sflag:s15] =	ssyncset.done $0x0  }
0x19: {  	s19 =	sadd.s32 $0x0, s10;
	[sflag:s15] =	ssyncadd.s32 $0xFFFFC000  }
0x1a: {  	[hbm4b:s19+s3] =	stream.linear.scatter [tilespmem:s13], [sflag:$0x3], $0x4000, $0x38;
	[tilespmem:$0x9000] =	vst v63  }
0x1b: {  	_ =	swait.ge [sflag:s11], $0x4000  }
0x1c: {  	[sflag:s11] =	ssyncset.done $0x0  }
0x1d: {  	s30 =	simm.s32 $0x100;
	[sflag:s11] =	ssyncadd.s32 $0xFFFFC000  }
0x1e: {  	[tilespmem:s13], [sflag:$0x1] =	stream.indirect.gather [hbm4b:s2+s12], $0x80, s30, s12, $0xb8;
	[tilespmem:$0x9000] =	vst v63  }
0x1f: {  	_ =	swait.ge [sflag:s16], $0x4000  }
0x20: {  	[sflag:s16] =	ssyncset.done $0x0  }
0x21: {  	s31 =	sadd.s32 $0x0, s9;
	[sflag:s16] =	ssyncadd.s32 $0xFFFFC000  }
0x22: {  	[hbm4b:s31+s3] =	stream.linear.scatter [tilespmem:s14], [sflag:$0x3], $0x4000, $0x38;
	[tilespmem:$0x9000] =	vst v63  }
0x23: {  	_ =	swait.ge [sflag:s11], $0x4000  }
0x24: {  	s20 =	simm.s32 $0x1000;
	[sflag:s11] =	ssyncset.done $0x0  }
0x25: {  	s21 =	simm.s32 $0x280;
	s19 =	simm.s32 $0x180;
	[sflag:s11] =	ssyncadd.s32 $0xFFFFC000  }
.LBB2_2:
0x26: {  	[tilespmem:s14], [sflag:$0x2] =	stream.indirect.gather [hbm4b:s2+s12], $0x80, s19, s12, $0xb8;
	[tilespmem:$0x9000] =	vst v63  }
0x27: {  	s22 =	smov.u32 s20;
	s19 =	smov.u32 s21  }
0x28: {  	p0 =	sne.s32 s20, $0xA000;
	s20 =	sadd.s32 $0x1000, s20;
	_ =	swait.ge [sflag:s15], $0x4000  }
0x29: {  	[sflag:s15] =	ssyncset.done $0x0  }
0x2a: {  	s23 =	sadd.s32 s22, s10;
	[sflag:s15] =	ssyncadd.s32 $0xFFFFC000  }
0x2b: {  	[hbm4b:s23+s3] =	stream.linear.scatter [tilespmem:s13], [sflag:$0x3], $0x4000, $0x38;
	[tilespmem:$0x9000] =	vst v63  }
0x2c: {  	_ =	swait.ge [sflag:s11], $0x4000  }
0x2d: {  	[sflag:s11] =	ssyncset.done $0x0  }
0x2e: {  	s23 =	sadd.s32 $0xFFFFFF80, s21;
	[sflag:s11] =	ssyncadd.s32 $0xFFFFC000  }
0x2f: {  	[tilespmem:s13], [sflag:$0x1] =	stream.indirect.gather [hbm4b:s2+s12], $0x80, s23, s12, $0xb8;
	[tilespmem:$0x9000] =	vst v63  }
0x30: {  	_ =	swait.ge [sflag:s16], $0x4000  }
0x31: {  	[sflag:s16] =	ssyncset.done $0x0  }
.Ltmp0:
0x32: {  	s22 =	sadd.s32 s22, s9;
	[sflag:s16] =	ssyncadd.s32 $0xFFFFC000;
	(pc) =	sbr.rel @p0 .LBB2_2-.Ltmp0, $4  }
0x33: {  	[hbm4b:s22+s3] =	stream.linear.scatter [tilespmem:s14], [sflag:$0x3], $0x4000, $0x38;
	[tilespmem:$0x9000] =	vst v63  }
0x34: {  	_ =	swait.ge [sflag:s11], $0x4000  }
0x35: {  	[sflag:s11] =	ssyncset.done $0x0  }
0x36: {  	s21 =	sadd.s32 $0x100, s21;
	[sflag:s11] =	ssyncadd.s32 $0xFFFFC000  }
0x37: {  	[tilespmem:s14], [sflag:$0x2] =	stream.indirect.gather [hbm4b:s2+s12], $0x80, s19, s12, $0xb8;
	[tilespmem:$0x9000] =	vst v63  }
0x38: {  	_ =	swait.ge [sflag:s15], $0x4000  }
0x39: {  	[sflag:s15] =	ssyncset.done $0x0  }
0x3a: {  	[sflag:s15] =	ssyncadd.s32 $0xFFFFC000  }
0x3b: {  	[hbm4b:s7+s3] =	stream.linear.scatter [tilespmem:s13], [sflag:$0x3], $0x4000, $0x38;
	[tilespmem:$0x9000] =	vst v63  }
0x3c: {  	_ =	swait.ge [sflag:s11], $0x4000  }
0x3d: {  	[sflag:s11] =	ssyncset.done $0x0  }
0x3e: {  	[sflag:s11] =	ssyncadd.s32 $0xFFFFC000  }
0x3f: {  	[tilespmem:s13], [sflag:$0x1] =	stream.indirect.gather [hbm4b:s2+s12], $0x80, s17, s12, $0xb8;
	[tilespmem:$0x9000] =	vst v63  }
0x40: {  	_ =	swait.ge [sflag:s16], $0x4000  }
0x41: {  	[sflag:s16] =	ssyncset.done $0x0  }
0x42: {  	[sflag:s16] =	ssyncadd.s32 $0xFFFFC000  }
0x43: {  	[hbm4b:s8+s3] =	stream.linear.scatter [tilespmem:s14], [sflag:$0x3], $0x4000, $0x38;
	[tilespmem:$0x9000] =	vst v63  }
0x44: {  	_ =	swait.ge [sflag:s11], $0x4000  }
0x45: {  	[sflag:s11] =	ssyncset.done $0x0  }
0x46: {  	[sflag:s11] =	ssyncadd.s32 $0xFFFFC000  }
0x47: {  	s18 =	sadd.s32 $0x1, s18;
	_ =	swait.ge [sflag:s15], $0x4000  }
0x48: {  	p0 =	sne.s32 s18, s5;
	[sflag:s15] =	ssyncset.done $0x0  }
.Ltmp1:
0x49: {  	[sflag:s15] =	ssyncadd.s32 $0xFFFFC000;
	(pc) =	sbr.rel @p0 .LBB2_1-.Ltmp1, $4  }
0x4a: {  	[hbm4b:s6+s3] =	stream.linear.scatter [tilespmem:s13], [sflag:$0x3], $0x4000, $0x38;
	[tilespmem:$0x9000] =	vst v63  }
0x4b: {  	_ =	swait.ge [sflag:s11], $0x4000  }
0x4c: {  	[sflag:s11] =	ssyncset.done $0x0  }
0x4d: {  	[sflag:s11] =	ssyncadd.s32 $0xFFFFC000  }
0x4e: {  	_ =	sfence.sel $0x180000  }
0x4f: {  	[bflag:$0x0] =	sbarrier.arrive $0xFFFF  }
0x50: {  	p0 =	sne.s32 s0, $0x0;
	_ =	strace $0x90000047  }
0x51: {  	s0 =	sadd.s32 @!p0 $0x100000, s1;
	[bflag:$0x2] =	sbarrier.arrive $0xFFFF  }
0x52: {  	[sflag:s0] =	ssyncadd.tile.s32 @!p0 $0x1;
	_ =	shalt  }
.Lfunc_end2:
_tile_overlayer_lowered:
.L_overlay_start_2:
0x53: {  	(tag) =	ssettag $0x2  }
0x54: {  	s0 =	rddreg [dreg:$0x0];
	s2 =	stileid.u32  }
0x55: {  	s1 =	rddreg [dreg:$0x1];
	p0 =	sne.s32 s2, $0x0  }
0x56: {  	s3 =	rddreg [dreg:$0x2];
	[bflag:$0x3] =	sbarrier.arrive $0xFFFF;
	s2 =	simm.s32 @!p0 $0x1C03  }
0x57: {  	[timem:s3], [sflag:s2] =	dma.local @!p0 [hbm:s0], s1  }
0x58: {  	s0 =	simm.s32 @!p0 $0x3  }
0x59: {  	_ =	swait.ge @!p0 [sflag:s0], s1  }
0x5a: {  	s1 =	ssub.s32 @!p0 $0x0, s1;
	[sflag:s0] =	ssyncset.done @!p0 $0x0  }
0x5b: {  	[sflag:s0] =	ssyncadd.s32 @!p0 s1  }
0x5c: {  	[bflag:$0x3] =	sbarrier.arrive $0xFFFF  }
0x5d: {  	_ =	shalt  }

</sc_bundles>
